<compile_context>
chip_gen: v7x
topology: tpu7x:2x2x1
jax: 0.10.2.dev20260603
libtpu: 0.0.44.dev20260713+nightly
codegen_flags: <defaults>
</compile_context>

<pallas_src>
import functools
import math

import jax
import jax.numpy as jnp
from jax.experimental import pallas as pl
from jax.experimental.pallas import tpu as pltpu

NSEL = 100
NCAND = 128
NEG = float("-inf")
IBIG = 2**30


def _body(x_ref, box_ref, ts_ref, s_ref, l_ref, b_ref, oh_ref,
          rowmax_ref, cand_ref, rid_ref, mval_ref, pidx_ref,
          *, n_chunks, c_dim):
  def p1(c, _):
    tile = x_ref[0, pl.ds(c * 128, 128), :]
    rowmax_ref[pl.ds(c, 1), :] = jnp.max(tile, axis=1).reshape(1, 128)
    return 0

  jax.lax.fori_loop(0, n_chunks, p1, 0, unroll=4)

  rid2d = (jax.lax.broadcasted_iota(jnp.int32, (n_chunks, 128), 0) * 128
           + jax.lax.broadcasted_iota(jnp.int32, (n_chunks, 128), 1))

  def p2a(k, rm):
    m = jnp.max(rm, axis=(0, 1), keepdims=True)
    r = jnp.min(jnp.where(rm == m, rid2d, IBIG), axis=(0, 1), keepdims=True)
    rid_ref[pl.ds(k, 1), :] = r
    return jnp.where(rid2d == r, NEG, rm)

  jax.lax.fori_loop(0, NCAND, p2a, rowmax_ref[:, :])

  def p2b(k, _):
    r = rid_ref[k, 0]
    cand_ref[pl.ds(k, 1), :] = x_ref[0, pl.ds(r, 1), :]
    return 0

  jax.lax.fori_loop(0, NCAND, p2b, 0, unroll=4)

  flatid = (rid_ref[:, :] * 128
            + jax.lax.broadcasted_iota(jnp.int32, (NCAND, 128), 1))

  def p3a(k, cand):
    m = jnp.max(cand, axis=(0, 1), keepdims=True)
    p = jnp.min(jnp.where(cand == m, flatid, IBIG), axis=(0, 1),
                keepdims=True)
    mval_ref[pl.ds(k, 1), :] = m
    pidx_ref[pl.ds(k, 1), :] = p
    return jnp.where(flatid == p, NEG, cand)

  jax.lax.fori_loop(0, NSEL, p3a, cand_ref[:, :])

  mv = mval_ref[:, :]
  pv = pidx_ref[:, :]
  s_ref[0, :, :] = 1.0 / (1.0 + jnp.exp(-mv))
  labels = jax.lax.rem(pv, jnp.int32(c_dim))
  l_ref[0, :, :] = labels
  lane128 = jax.lax.broadcasted_iota(jnp.int32, (NCAND, 128), 1)
  oh_ref[0, :, :] = jnp.where(lane128 == labels, 1.0, 0.0)

  img_h = ts_ref[0, 0, 0]
  img_w = ts_ref[0, 0, 1]

  def p3c(k, _):
    p = pidx_ref[k, 0]
    q = jax.lax.div(p, jnp.int32(c_dim))
    row16 = box_ref[0, pl.ds(jax.lax.div(q, jnp.int32(4)), 1), :]
    off = jax.lax.rem(q, jnp.int32(4))
    sel = jnp.where(off == 0, row16[:, 0:4],
          jnp.where(off == 1, row16[:, 4:8],
          jnp.where(off == 2, row16[:, 8:12], row16[:, 12:16])))
    cx, cy, w, h = sel[:, 0:1], sel[:, 1:2], sel[:, 2:3], sel[:, 3:4]
    b_ref[0, pl.ds(k, 1), :] = jnp.concatenate(
        [(cx - 0.5 * w) * img_w, (cy - 0.5 * h) * img_h,
         (cx + 0.5 * w) * img_w, (cy + 0.5 * h) * img_h], axis=1)
    return 0

  jax.lax.fori_loop(0, NSEL, p3c, 0, unroll=4)


def kernel(pred_logits, pred_boxes, target_sizes):
  B, N, C = pred_logits.shape
  flat_n = N * C
  rows = math.ceil(flat_n / 128)
  n_chunks = math.ceil(rows / 128)
  rows_p = n_chunks * 128
  pad = rows_p * 128 - flat_n

  flat = pred_logits.reshape(B, flat_n)
  xp = jnp.pad(flat, ((0, 0), (0, pad)), constant_values=-jnp.inf)
  x3 = xp.reshape(B, rows_p, 128)
  box2 = pred_boxes.reshape(B, (N * 4) // 16, 16)
  ts3 = target_sizes.reshape(B, 1, 2)

  body = functools.partial(_body, n_chunks=n_chunks, c_dim=C)

  s_out, l_out, b_out, oh_out = pl.pallas_call(
      body,
      grid=(B,),
      in_specs=[
          pl.BlockSpec((1, rows_p, 128), lambda b: (b, 0, 0)),
          pl.BlockSpec((1, (N * 4) // 16, 16), lambda b: (b, 0, 0)),
          pl.BlockSpec((1, 1, 2), lambda b: (b, 0, 0)),
      ],
      out_specs=[
          pl.BlockSpec((1, NCAND, 1), lambda b: (b, 0, 0)),
          pl.BlockSpec((1, NCAND, 1), lambda b: (b, 0, 0)),
          pl.BlockSpec((1, NCAND, 4), lambda b: (b, 0, 0)),
          pl.BlockSpec((1, NCAND, 128), lambda b: (b, 0, 0)),
      ],
      out_shape=[
          jax.ShapeDtypeStruct((B, NCAND, 1), jnp.float32),
          jax.ShapeDtypeStruct((B, NCAND, 1), jnp.int32),
          jax.ShapeDtypeStruct((B, NCAND, 4), jnp.float32),
          jax.ShapeDtypeStruct((B, NCAND, 128), jnp.float32),
      ],
      scratch_shapes=[
          pltpu.VMEM((n_chunks, 128), jnp.float32),
          pltpu.VMEM((NCAND, 128), jnp.float32),
          pltpu.VMEM((NCAND, 1), jnp.int32),
          pltpu.VMEM((NCAND, 1), jnp.float32),
          pltpu.VMEM((NCAND, 1), jnp.int32),
      ],
      compiler_params=pltpu.CompilerParams(
          dimension_semantics=("parallel",)),
  )(x3, box2, ts3)

  scores = s_out[:, :NSEL, 0]
  labels = l_out[:, :NSEL, 0]
  boxes = b_out[:, :NSEL, :]
  logits_out = oh_out[:, :NSEL, :C]
  return scores, labels, boxes, logits_out

# --- scband reference (transcript-rebuilt; emitter-appended) ---
"""Pipeline reference for scband-post-process-78194174591117 (READ-ONLY COPY).

The authoritative reference and input builder live on the scoring server;
editing this copy changes nothing except your own understanding.
"""

import jax, jax.numpy as jnp
import numpy as np

NUM_SELECT = 100

def setup_inputs(seed: int = 0) -> dict:
    key = jax.random.key(seed)
    k1, k2, k3 = jax.random.split(key, 3)
    B, N, C = 8, 20000, 91
    pred_logits = jax.random.normal(k1, (B, N, C), dtype=jnp.float32)
    pred_boxes = jax.random.uniform(k2, (B, N, 4), dtype=jnp.float32)  # cxcywh in [0,1]
    # target_sizes: (h, w) original image sizes, realistic COCO-like sizes
    target_sizes = jax.random.uniform(k3, (B, 2), dtype=jnp.float32) * 800.0 + 200.0
    return {"pred_logits": pred_logits, "pred_boxes": pred_boxes, "target_sizes": target_sizes}


def box_cxcywh_to_xyxy(x):
    cx, cy, w, h = x[..., 0], x[..., 1], x[..., 2], x[..., 3]
    return jnp.stack([cx - 0.5 * w, cy - 0.5 * h, cx + 0.5 * w, cy + 0.5 * h], axis=-1)


def reference(pred_logits, pred_boxes, target_sizes):
    B, N, C = pred_logits.shape
    prob = jax.nn.sigmoid(pred_logits)
    flat = prob.reshape(B, N * C)
    topk_values, topk_indexes = jax.lax.top_k(flat, NUM_SELECT)
    scores = topk_values
    topk_boxes = topk_indexes // C
    labels = topk_indexes % C
    # scatter-overwrite one-hot: pred_logits_out.scatter_(2, labels.unsqueeze(-1), 1)
    b_idx = jnp.arange(B)[:, None]
    s_idx = jnp.arange(NUM_SELECT)[None, :]
    pred_logits_out = jnp.zeros((B, NUM_SELECT, C), dtype=jnp.float32).at[b_idx, s_idx, labels].set(1.0)
    boxes = box_cxcywh_to_xyxy(pred_boxes)
    # gather selected boxes along query dim
    boxes = jnp.take_along_axis(boxes, topk_boxes[:, :, None], axis=1)
    img_h = target_sizes[:, 0]
    img_w = target_sizes[:, 1]
    scale_fct = jnp.stack([img_w, img_h, img_w, img_h], axis=1)
    boxes = boxes * scale_fct[:, None, :]
    return scores, labels, boxes, pred_logits_out

if __name__ == "__main__":
    import jax
    _d = setup_inputs()
    print(jax.jit(kernel)(*tuple(_d.values())))

</pallas_src>

<mosaic_0001>
module attributes {stable_mosaic.version = 14 : i64} {
  func.func @_body(%arg0: i32, %arg1: memref<1x14336x128xf32, #tpu.memory_space<vmem>>, %arg2: memref<1x5000x16xf32, #tpu.memory_space<vmem>>, %arg3: memref<1x1x2xf32, #tpu.memory_space<vmem>>, %arg4: memref<1x128x1xf32, #tpu.memory_space<vmem>>, %arg5: memref<1x128x1xi32, #tpu.memory_space<vmem>>, %arg6: memref<1x128x4xf32, #tpu.memory_space<vmem>>, %arg7: memref<1x128x128xf32, #tpu.memory_space<vmem>>, %arg8: memref<112x128xf32, #tpu.memory_space<vmem>>, %arg9: memref<128x128xf32, #tpu.memory_space<vmem>>, %arg10: memref<128x1xi32, #tpu.memory_space<vmem>>, %arg11: memref<128x1xf32, #tpu.memory_space<vmem>>, %arg12: memref<128x1xi32, #tpu.memory_space<vmem>>) attributes {dimension_semantics = [#tpu.dimension_semantics<parallel>], iteration_bounds = array<i64: 8>, scalar_prefetch = 0 : i64, scratch_operands = 5 : i64, tpu.core_type = #tpu.core_type<tc>, window_params = [{transform_indices = @transform_0, window_bounds = array<i64: 1, 14336, 128>}, {transform_indices = @transform_1, window_bounds = array<i64: 1, 5000, 16>}, {transform_indices = @transform_2, window_bounds = array<i64: 1, 1, 2>}, {transform_indices = @transform_3, window_bounds = array<i64: 1, 128, 1>}, {transform_indices = @transform_4, window_bounds = array<i64: 1, 128, 1>}, {transform_indices = @transform_5, window_bounds = array<i64: 1, 128, 4>}, {transform_indices = @transform_6, window_bounds = array<i64: 1, 128, 128>}]} {
    %scan3A = arith.constant 0 : i32
    %scan3A_0 = arith.constant 112 : i32
    %scan3A_1 = arith.addi %scan3A, %scan3A_0 : i32
    %scan3A_2 = arith.constant 4 : i32
    scf.for %scan3A_89 = %scan3A to %scan3A_1 step %scan3A_2  : i32 {
      %mul3A_90 = arith.constant 128 : i32
      %mul3A_91 = arith.muli %scan3A_89, %mul3A_90 : i32
      %get3A_92 = arith.constant 0 : index
      %get3A_93 = arith.index_cast %mul3A_91 : i32 to index
      %get3A_94 = arith.constant 0 : index
      %get3A_95 = vector.load %arg1[%get3A_92, %get3A_93, %get3A_94] : memref<1x14336x128xf32, #tpu.memory_space<vmem>>, vector<1x128x128xf32>
      %get3A_96 = vector.shape_cast %get3A_95 : vector<1x128x128xf32> to vector<128x128xf32>
      %reduce_max3A = arith.constant dense<0xFF800000> : vector<128xf32>
      %reduce_max3A_97 = vector.multi_reduction <maximumf>, %get3A_96, %reduce_max3A [1] : vector<128x128xf32> to vector<128xf32>
      %reshape3A = vector.shape_cast %reduce_max3A_97 : vector<128xf32> to vector<1x128xf32>
      %swap3A_98 = arith.index_cast %scan3A_89 : i32 to index
      %swap3A_99 = arith.constant 0 : index
      %swap3A_100 = vector.load %arg8[%swap3A_98, %swap3A_99] : memref<112x128xf32, #tpu.memory_space<vmem>>, vector<1x128xf32>
      tpu.vector_store %arg8[%swap3A_98, %swap3A_99], %reshape3A {strides = array<i32>} : memref<112x128xf32, #tpu.memory_space<vmem>>, vector<1x128xf32>,
      %scan3A_101 = arith.constant 1 : i32
      %scan3A_102 = arith.addi %scan3A_89, %scan3A_101 : i32
      %mul3A_103 = arith.constant 128 : i32
      %mul3A_104 = arith.muli %scan3A_102, %mul3A_103 : i32
      %get3A_105 = arith.constant 0 : index
      %get3A_106 = arith.index_cast %mul3A_104 : i32 to index
      %get3A_107 = arith.constant 0 : index
      %get3A_108 = vector.load %arg1[%get3A_105, %get3A_106, %get3A_107] : memref<1x14336x128xf32, #tpu.memory_space<vmem>>, vector<1x128x128xf32>
      %get3A_109 = vector.shape_cast %get3A_108 : vector<1x128x128xf32> to vector<128x128xf32>
      %reduce_max3A_110 = arith.constant dense<0xFF800000> : vector<128xf32>
      %reduce_max3A_111 = vector.multi_reduction <maximumf>, %get3A_109, %reduce_max3A_110 [1] : vector<128x128xf32> to vector<128xf32>
      %reshape3A_112 = vector.shape_cast %reduce_max3A_111 : vector<128xf32> to vector<1x128xf32>
      %swap3A_113 = arith.index_cast %scan3A_102 : i32 to index
      %swap3A_114 = arith.constant 0 : index
      %swap3A_115 = vector.load %arg8[%swap3A_113, %swap3A_114] : memref<112x128xf32, #tpu.memory_space<vmem>>, vector<1x128xf32>
      tpu.vector_store %arg8[%swap3A_113, %swap3A_114], %reshape3A_112 {strides = array<i32>} : memref<112x128xf32, #tpu.memory_space<vmem>>, vector<1x128xf32>,
      %scan3A_116 = arith.constant 2 : i32
      %scan3A_117 = arith.addi %scan3A_89, %scan3A_116 : i32
      %mul3A_118 = arith.constant 128 : i32
      %mul3A_119 = arith.muli %scan3A_117, %mul3A_118 : i32
      %get3A_120 = arith.constant 0 : index
      %get3A_121 = arith.index_cast %mul3A_119 : i32 to index
      %get3A_122 = arith.constant 0 : index
      %get3A_123 = vector.load %arg1[%get3A_120, %get3A_121, %get3A_122] : memref<1x14336x128xf32, #tpu.memory_space<vmem>>, vector<1x128x128xf32>
      %get3A_124 = vector.shape_cast %get3A_123 : vector<1x128x128xf32> to vector<128x128xf32>
      %reduce_max3A_125 = arith.constant dense<0xFF800000> : vector<128xf32>
      %reduce_max3A_126 = vector.multi_reduction <maximumf>, %get3A_124, %reduce_max3A_125 [1] : vector<128x128xf32> to vector<128xf32>
      %reshape3A_127 = vector.shape_cast %reduce_max3A_126 : vector<128xf32> to vector<1x128xf32>
      %swap3A_128 = arith.index_cast %scan3A_117 : i32 to index
      %swap3A_129 = arith.constant 0 : index
      %swap3A_130 = vector.load %arg8[%swap3A_128, %swap3A_129] : memref<112x128xf32, #tpu.memory_space<vmem>>, vector<1x128xf32>
      tpu.vector_store %arg8[%swap3A_128, %swap3A_129], %reshape3A_127 {strides = array<i32>} : memref<112x128xf32, #tpu.memory_space<vmem>>, vector<1x128xf32>,
      %scan3A_131 = arith.constant 3 : i32
      %scan3A_132 = arith.addi %scan3A_89, %scan3A_131 : i32
      %mul3A_133 = arith.constant 128 : i32
      %mul3A_134 = arith.muli %scan3A_132, %mul3A_133 : i32
      %get3A_135 = arith.constant 0 : index
      %get3A_136 = arith.index_cast %mul3A_134 : i32 to index
      %get3A_137 = arith.constant 0 : index
      %get3A_138 = vector.load %arg1[%get3A_135, %get3A_136, %get3A_137] : memref<1x14336x128xf32, #tpu.memory_space<vmem>>, vector<1x128x128xf32>
      %get3A_139 = vector.shape_cast %get3A_138 : vector<1x128x128xf32> to vector<128x128xf32>
      %reduce_max3A_140 = arith.constant dense<0xFF800000> : vector<128xf32>
      %reduce_max3A_141 = vector.multi_reduction <maximumf>, %get3A_139, %reduce_max3A_140 [1] : vector<128x128xf32> to vector<128xf32>
      %reshape3A_142 = vector.shape_cast %reduce_max3A_141 : vector<128xf32> to vector<1x128xf32>
      %swap3A_143 = arith.index_cast %scan3A_132 : i32 to index
      %swap3A_144 = arith.constant 0 : index
      %swap3A_145 = vector.load %arg8[%swap3A_143, %swap3A_144] : memref<112x128xf32, #tpu.memory_space<vmem>>, vector<1x128xf32>
      tpu.vector_store %arg8[%swap3A_143, %swap3A_144], %reshape3A_142 {strides = array<i32>} : memref<112x128xf32, #tpu.memory_space<vmem>>, vector<1x128xf32>,
    }
    %scan3A_3 = arith.constant 112 : i32
    %iota3A = tpu.iota {dimensions = array<i32: 0>} : vector<112x128xi32>
    %mul3A = arith.constant 128 : i32
    %mul3A_4 = vector.broadcast %mul3A : i32 to vector<112x128xi32>
    %mul3A_5 = arith.muli %iota3A, %mul3A_4 : vector<112x128xi32>
    %iota3A_6 = tpu.iota {dimensions = array<i32: 1>} : vector<112x128xi32>
    %add3A = arith.addi %mul3A_5, %iota3A_6 : vector<112x128xi32>
    %get3A = arith.constant 0 : index
    %get3A_7 = arith.constant 0 : index
    %get3A_8 = vector.load %arg8[%get3A, %get3A_7] : memref<112x128xf32, #tpu.memory_space<vmem>>, vector<112x128xf32>
    %scan3A_9 = arith.constant 0 : i32
    %scan3A_10 = arith.constant 128 : i32
    %scan3A_11 = arith.addi %scan3A_9, %scan3A_10 : i32
    %scan3A_12 = arith.constant 1 : i32
    %scan3A_13 = scf.for %scan3A_89 = %scan3A_9 to %scan3A_11 step %scan3A_12 iter_args(%scan3A_90 = %get3A_8) -> (vector<112x128xf32>)  : i32 {
      %reduce_max3A = vector.shape_cast %scan3A_90 : vector<112x128xf32> to vector<1x112x128xf32>
      %reduce_max3A_91 = arith.constant dense<0xFF800000> : vector<1xf32>
      %reduce_max3A_92 = vector.multi_reduction <maximumf>, %reduce_max3A, %reduce_max3A_91 [1, 2] : vector<1x112x128xf32> to vector<1xf32>
      %reduce_max3A_93 = vector.shape_cast %reduce_max3A_92 : vector<1xf32> to vector<1x1x1xf32>
      %reduce_max3A_94 = vector.extract %reduce_max3A_93[0, 0, 0] : f32 from vector<1x1x1xf32>
      %broadcast_in_dim3A_95 = vector.broadcast %reduce_max3A_94 : f32 to vector<1x1xf32>
      %eq3A_96 = vector.broadcast %broadcast_in_dim3A_95 : vector<1x1xf32> to vector<112x128xf32>
      %eq3A_97 = arith.cmpf oeq, %scan3A_90, %eq3A_96 : vector<112x128xf32>
      %jit3A_98 = arith.constant 1073741824 : i32
      %broadcast_in_dim3A_99 = vector.broadcast %jit3A_98 : i32 to vector<112x128xi32>
      %select_n3A_100 = arith.select %eq3A_97, %add3A, %broadcast_in_dim3A_99 : vector<112x128xi1>, vector<112x128xi32>
      %reduce_min3A = vector.shape_cast %select_n3A_100 : vector<112x128xi32> to vector<1x112x128xi32>
      %reduce_min3A_101 = arith.constant dense<2147483647> : vector<1xi32>
      %reduce_min3A_102 = vector.multi_reduction <minsi>, %reduce_min3A, %reduce_min3A_101 [1, 2] : vector<1x112x128xi32> to vector<1xi32>
      %reduce_min3A_103 = vector.shape_cast %reduce_min3A_102 : vector<1xi32> to vector<1x1x1xi32>
      %reduce_min3A_104 = vector.extract %reduce_min3A_103[0, 0, 0] : i32 from vector<1x1x1xi32>
      %broadcast_in_dim3A_105 = vector.broadcast %reduce_min3A_104 : i32 to vector<1x1xi32>
      %swap3A_106 = arith.index_cast %scan3A_89 : i32 to index
      %swap3A_107 = arith.constant 0 : index
      %swap3A_108 = vector.load %arg10[%swap3A_106, %swap3A_107] : memref<128x1xi32, #tpu.memory_space<vmem>>, vector<1x1xi32>
      tpu.vector_store %arg10[%swap3A_106, %swap3A_107], %broadcast_in_dim3A_105 {strides = array<i32>} : memref<128x1xi32, #tpu.memory_space<vmem>>, vector<1x1xi32>,
      %eq3A_109 = vector.broadcast %broadcast_in_dim3A_105 : vector<1x1xi32> to vector<112x128xi32>
      %eq3A_110 = arith.cmpi eq, %add3A, %eq3A_109 : vector<112x128xi32>
      %jit3A_111 = arith.constant 0xFF800000 : f32
      %broadcast_in_dim3A_112 = vector.broadcast %jit3A_111 : f32 to vector<112x128xf32>
      %select_n3A_113 = arith.select %eq3A_110, %broadcast_in_dim3A_112, %scan3A_90 : vector<112x128xi1>, vector<112x128xf32>
      scf.yield %select_n3A_113 : vector<112x128xf32>
    }
    %scan3A_14 = arith.constant 128 : i32
    %scan3A_15 = arith.constant 0 : i32
    %scan3A_16 = arith.constant 128 : i32
    %scan3A_17 = arith.addi %scan3A_15, %scan3A_16 : i32
    %scan3A_18 = arith.constant 4 : i32
    scf.for %scan3A_89 = %scan3A_15 to %scan3A_17 step %scan3A_18  : i32 {
      %get3A_90 = arith.index_cast %scan3A_89 : i32 to index
      %get3A_91 = arith.constant 0 : index
      %get3A_92 = vector.load %arg10[%get3A_90, %get3A_91] : memref<128x1xi32, #tpu.memory_space<vmem>>, vector<1x1xi32>
      %get3A_93 = vector.extract %get3A_92[0, 0] : i32 from vector<1x1xi32>
      %get3A_94 = arith.constant 0 : index
      %get3A_95 = arith.index_cast %get3A_93 : i32 to index
      %get3A_96 = arith.constant 0 : index
      %get3A_97 = vector.load %arg1[%get3A_94, %get3A_95, %get3A_96] : memref<1x14336x128xf32, #tpu.memory_space<vmem>>, vector<1x1x128xf32>
      %get3A_98 = vector.shape_cast %get3A_97 : vector<1x1x128xf32> to vector<1x128xf32>
      %swap3A_99 = arith.index_cast %scan3A_89 : i32 to index
      %swap3A_100 = arith.constant 0 : index
      %swap3A_101 = vector.load %arg9[%swap3A_99, %swap3A_100] : memref<128x128xf32, #tpu.memory_space<vmem>>, vector<1x128xf32>
      tpu.vector_store %arg9[%swap3A_99, %swap3A_100], %get3A_98 {strides = array<i32>} : memref<128x128xf32, #tpu.memory_space<vmem>>, vector<1x128xf32>,
      %scan3A_102 = arith.constant 1 : i32
      %scan3A_103 = arith.addi %scan3A_89, %scan3A_102 : i32
      %get3A_104 = arith.index_cast %scan3A_103 : i32 to index
      %get3A_105 = arith.constant 0 : index
      %get3A_106 = vector.load %arg10[%get3A_104, %get3A_105] : memref<128x1xi32, #tpu.memory_space<vmem>>, vector<1x1xi32>
      %get3A_107 = vector.extract %get3A_106[0, 0] : i32 from vector<1x1xi32>
      %get3A_108 = arith.constant 0 : index
      %get3A_109 = arith.index_cast %get3A_107 : i32 to index
      %get3A_110 = arith.constant 0 : index
      %get3A_111 = vector.load %arg1[%get3A_108, %get3A_109, %get3A_110] : memref<1x14336x128xf32, #tpu.memory_space<vmem>>, vector<1x1x128xf32>
      %get3A_112 = vector.shape_cast %get3A_111 : vector<1x1x128xf32> to vector<1x128xf32>
      %swap3A_113 = arith.index_cast %scan3A_103 : i32 to index
      %swap3A_114 = arith.constant 0 : index
      %swap3A_115 = vector.load %arg9[%swap3A_113, %swap3A_114] : memref<128x128xf32, #tpu.memory_space<vmem>>, vector<1x128xf32>
      tpu.vector_store %arg9[%swap3A_113, %swap3A_114], %get3A_112 {strides = array<i32>} : memref<128x128xf32, #tpu.memory_space<vmem>>, vector<1x128xf32>,
      %scan3A_116 = arith.constant 2 : i32
      %scan3A_117 = arith.addi %scan3A_89, %scan3A_116 : i32
      %get3A_118 = arith.index_cast %scan3A_117 : i32 to index
      %get3A_119 = arith.constant 0 : index
      %get3A_120 = vector.load %arg10[%get3A_118, %get3A_119] : memref<128x1xi32, #tpu.memory_space<vmem>>, vector<1x1xi32>
      %get3A_121 = vector.extract %get3A_120[0, 0] : i32 from vector<1x1xi32>
      %get3A_122 = arith.constant 0 : index
      %get3A_123 = arith.index_cast %get3A_121 : i32 to index
      %get3A_124 = arith.constant 0 : index
      %get3A_125 = vector.load %arg1[%get3A_122, %get3A_123, %get3A_124] : memref<1x14336x128xf32, #tpu.memory_space<vmem>>, vector<1x1x128xf32>
      %get3A_126 = vector.shape_cast %get3A_125 : vector<1x1x128xf32> to vector<1x128xf32>
      %swap3A_127 = arith.index_cast %scan3A_117 : i32 to index
      %swap3A_128 = arith.constant 0 : index
      %swap3A_129 = vector.load %arg9[%swap3A_127, %swap3A_128] : memref<128x128xf32, #tpu.memory_space<vmem>>, vector<1x128xf32>
      tpu.vector_store %arg9[%swap3A_127, %swap3A_128], %get3A_126 {strides = array<i32>} : memref<128x128xf32, #tpu.memory_space<vmem>>, vector<1x128xf32>,
      %scan3A_130 = arith.constant 3 : i32
      %scan3A_131 = arith.addi %scan3A_89, %scan3A_130 : i32
      %get3A_132 = arith.index_cast %scan3A_131 : i32 to index
      %get3A_133 = arith.constant 0 : index
      %get3A_134 = vector.load %arg10[%get3A_132, %get3A_133] : memref<128x1xi32, #tpu.memory_space<vmem>>, vector<1x1xi32>
      %get3A_135 = vector.extract %get3A_134[0, 0] : i32 from vector<1x1xi32>
      %get3A_136 = arith.constant 0 : index
      %get3A_137 = arith.index_cast %get3A_135 : i32 to index
      %get3A_138 = arith.constant 0 : index
      %get3A_139 = vector.load %arg1[%get3A_136, %get3A_137, %get3A_138] : memref<1x14336x128xf32, #tpu.memory_space<vmem>>, vector<1x1x128xf32>
      %get3A_140 = vector.shape_cast %get3A_139 : vector<1x1x128xf32> to vector<1x128xf32>
      %swap3A_141 = arith.index_cast %scan3A_131 : i32 to index
      %swap3A_142 = arith.constant 0 : index
      %swap3A_143 = vector.load %arg9[%swap3A_141, %swap3A_142] : memref<128x128xf32, #tpu.memory_space<vmem>>, vector<1x128xf32>
      tpu.vector_store %arg9[%swap3A_141, %swap3A_142], %get3A_140 {strides = array<i32>} : memref<128x128xf32, #tpu.memory_space<vmem>>, vector<1x128xf32>,
    }
    %scan3A_19 = arith.constant 128 : i32
    %get3A_20 = arith.constant 0 : index
    %get3A_21 = arith.constant 0 : index
    %get3A_22 = vector.load %arg10[%get3A_20, %get3A_21] : memref<128x1xi32, #tpu.memory_space<vmem>>, vector<128x1xi32>
    %mul3A_23 = arith.constant 128 : i32
    %mul3A_24 = vector.broadcast %mul3A_23 : i32 to vector<128x1xi32>
    %mul3A_25 = arith.muli %get3A_22, %mul3A_24 : vector<128x1xi32>
    %iota3A_26 = tpu.iota {dimensions = array<i32: 1>} : vector<128x128xi32>
    %add3A_27 = vector.broadcast %mul3A_25 : vector<128x1xi32> to vector<128x128xi32>
    %add3A_28 = arith.addi %add3A_27, %iota3A_26 : vector<128x128xi32>
    %get3A_29 = arith.constant 0 : index
    %get3A_30 = arith.constant 0 : index
    %get3A_31 = vector.load %arg9[%get3A_29, %get3A_30] : memref<128x128xf32, #tpu.memory_space<vmem>>, vector<128x128xf32>
    %scan3A_32 = arith.constant 0 : i32
    %scan3A_33 = arith.constant 100 : i32
    %scan3A_34 = arith.addi %scan3A_32, %scan3A_33 : i32
    %scan3A_35 = arith.constant 1 : i32
    %scan3A_36 = scf.for %scan3A_89 = %scan3A_32 to %scan3A_34 step %scan3A_35 iter_args(%scan3A_90 = %get3A_31) -> (vector<128x128xf32>)  : i32 {
      %reduce_max3A = vector.shape_cast %scan3A_90 : vector<128x128xf32> to vector<1x128x128xf32>
      %reduce_max3A_91 = arith.constant dense<0xFF800000> : vector<1xf32>
      %reduce_max3A_92 = vector.multi_reduction <maximumf>, %reduce_max3A, %reduce_max3A_91 [1, 2] : vector<1x128x128xf32> to vector<1xf32>
      %reduce_max3A_93 = vector.shape_cast %reduce_max3A_92 : vector<1xf32> to vector<1x1x1xf32>
      %reduce_max3A_94 = vector.extract %reduce_max3A_93[0, 0, 0] : f32 from vector<1x1x1xf32>
      %broadcast_in_dim3A_95 = vector.broadcast %reduce_max3A_94 : f32 to vector<1x1xf32>
      %eq3A_96 = vector.broadcast %broadcast_in_dim3A_95 : vector<1x1xf32> to vector<128x128xf32>
      %eq3A_97 = arith.cmpf oeq, %scan3A_90, %eq3A_96 : vector<128x128xf32>
      %jit3A_98 = arith.constant 1073741824 : i32
      %broadcast_in_dim3A_99 = vector.broadcast %jit3A_98 : i32 to vector<128x128xi32>
      %select_n3A_100 = arith.select %eq3A_97, %add3A_28, %broadcast_in_dim3A_99 : vector<128x128xi1>, vector<128x128xi32>
      %reduce_min3A = vector.shape_cast %select_n3A_100 : vector<128x128xi32> to vector<1x128x128xi32>
      %reduce_min3A_101 = arith.constant dense<2147483647> : vector<1xi32>
      %reduce_min3A_102 = vector.multi_reduction <minsi>, %reduce_min3A, %reduce_min3A_101 [1, 2] : vector<1x128x128xi32> to vector<1xi32>
      %reduce_min3A_103 = vector.shape_cast %reduce_min3A_102 : vector<1xi32> to vector<1x1x1xi32>
      %reduce_min3A_104 = vector.extract %reduce_min3A_103[0, 0, 0] : i32 from vector<1x1x1xi32>
      %broadcast_in_dim3A_105 = vector.broadcast %reduce_min3A_104 : i32 to vector<1x1xi32>
      %swap3A_106 = arith.index_cast %scan3A_89 : i32 to index
      %swap3A_107 = arith.constant 0 : index
      %swap3A_108 = vector.load %arg11[%swap3A_106, %swap3A_107] : memref<128x1xf32, #tpu.memory_space<vmem>>, vector<1x1xf32>
      tpu.vector_store %arg11[%swap3A_106, %swap3A_107], %broadcast_in_dim3A_95 {strides = array<i32>} : memref<128x1xf32, #tpu.memory_space<vmem>>, vector<1x1xf32>,
      %swap3A_109 = arith.index_cast %scan3A_89 : i32 to index
      %swap3A_110 = arith.constant 0 : index
      %swap3A_111 = vector.load %arg12[%swap3A_109, %swap3A_110] : memref<128x1xi32, #tpu.memory_space<vmem>>, vector<1x1xi32>
      tpu.vector_store %arg12[%swap3A_109, %swap3A_110], %broadcast_in_dim3A_105 {strides = array<i32>} : memref<128x1xi32, #tpu.memory_space<vmem>>, vector<1x1xi32>,
      %eq3A_112 = vector.broadcast %broadcast_in_dim3A_105 : vector<1x1xi32> to vector<128x128xi32>
      %eq3A_113 = arith.cmpi eq, %add3A_28, %eq3A_112 : vector<128x128xi32>
      %jit3A_114 = arith.constant 0xFF800000 : f32
      %broadcast_in_dim3A_115 = vector.broadcast %jit3A_114 : f32 to vector<128x128xf32>
      %select_n3A_116 = arith.select %eq3A_113, %broadcast_in_dim3A_115, %scan3A_90 : vector<128x128xi1>, vector<128x128xf32>
      scf.yield %select_n3A_116 : vector<128x128xf32>
    }
    %scan3A_37 = arith.constant 100 : i32
    %get3A_38 = arith.constant 0 : index
    %get3A_39 = arith.constant 0 : index
    %get3A_40 = vector.load %arg11[%get3A_38, %get3A_39] : memref<128x1xf32, #tpu.memory_space<vmem>>, vector<128x1xf32>
    %get3A_41 = arith.constant 0 : index
    %get3A_42 = arith.constant 0 : index
    %get3A_43 = vector.load %arg12[%get3A_41, %get3A_42] : memref<128x1xi32, #tpu.memory_space<vmem>>, vector<128x1xi32>
    %neg3A = arith.constant 0.000000e+00 : f32
    %neg3A_44 = vector.broadcast %neg3A : f32 to vector<128x1xf32>
    %neg3A_45 = arith.subf %neg3A_44, %get3A_40 : vector<128x1xf32>
    %exp3A = math.exp %neg3A_45 : vector<128x1xf32>
    %add3A_46 = arith.constant 1.000000e+00 : f32
    %add3A_47 = vector.broadcast %add3A_46 : f32 to vector<128x1xf32>
    %add3A_48 = arith.addf %add3A_47, %exp3A : vector<128x1xf32>
    %div3A = arith.constant 1.000000e+00 : f32
    %div3A_49 = vector.broadcast %div3A : f32 to vector<128x1xf32>
    %div3A_50 = arith.divf %div3A_49, %add3A_48 : vector<128x1xf32>
    %swap3A = arith.constant 0 : index
    %swap3A_51 = arith.constant 0 : index
    %swap3A_52 = arith.constant 0 : index
    %swap3A_53 = vector.load %arg4[%swap3A, %swap3A_51, %swap3A_52] : memref<1x128x1xf32, #tpu.memory_space<vmem>>, vector<1x128x1xf32>
    %swap3A_54 = vector.shape_cast %swap3A_53 : vector<1x128x1xf32> to vector<128x1xf32>
    %swap3A_55 = vector.shape_cast %div3A_50 : vector<128x1xf32> to vector<1x128x1xf32>
    tpu.vector_store %arg4[%swap3A, %swap3A_51, %swap3A_52], %swap3A_55 {strides = array<i32>} : memref<1x128x1xf32, #tpu.memory_space<vmem>>, vector<1x128x1xf32>,
    %rem3A = arith.constant 91 : i32
    %rem3A_56 = vector.broadcast %rem3A : i32 to vector<128x1xi32>
    %rem3A_57 = arith.remsi %get3A_43, %rem3A_56 : vector<128x1xi32>
    %swap3A_58 = arith.constant 0 : index
    %swap3A_59 = arith.constant 0 : index
    %swap3A_60 = arith.constant 0 : index
    %swap3A_61 = vector.load %arg5[%swap3A_58, %swap3A_59, %swap3A_60] : memref<1x128x1xi32, #tpu.memory_space<vmem>>, vector<1x128x1xi32>
    %swap3A_62 = vector.shape_cast %swap3A_61 : vector<1x128x1xi32> to vector<128x1xi32>
    %swap3A_63 = vector.shape_cast %rem3A_57 : vector<128x1xi32> to vector<1x128x1xi32>
    tpu.vector_store %arg5[%swap3A_58, %swap3A_59, %swap3A_60], %swap3A_63 {strides = array<i32>} : memref<1x128x1xi32, #tpu.memory_space<vmem>>, vector<1x128x1xi32>,
    %iota3A_64 = tpu.iota {dimensions = array<i32: 1>} : vector<128x128xi32>
    %eq3A = vector.broadcast %rem3A_57 : vector<128x1xi32> to vector<128x128xi32>
    %eq3A_65 = arith.cmpi eq, %iota3A_64, %eq3A : vector<128x128xi32>
    %jit3A = arith.constant 1.000000e+00 : f32
    %jit3A_66 = arith.constant 0.000000e+00 : f32
    %broadcast_in_dim3A = vector.broadcast %jit3A : f32 to vector<128x128xf32>
    %broadcast_in_dim3A_67 = vector.broadcast %jit3A_66 : f32 to vector<128x128xf32>
    %select_n3A = arith.select %eq3A_65, %broadcast_in_dim3A, %broadcast_in_dim3A_67 : vector<128x128xi1>, vector<128x128xf32>
    %swap3A_68 = arith.constant 0 : index
    %swap3A_69 = arith.constant 0 : index
    %swap3A_70 = arith.constant 0 : index
    %swap3A_71 = vector.load %arg7[%swap3A_68, %swap3A_69, %swap3A_70] : memref<1x128x128xf32, #tpu.memory_space<vmem>>, vector<1x128x128xf32>
    %swap3A_72 = vector.shape_cast %swap3A_71 : vector<1x128x128xf32> to vector<128x128xf32>
    %swap3A_73 = vector.shape_cast %select_n3A : vector<128x128xf32> to vector<1x128x128xf32>
    tpu.vector_store %arg7[%swap3A_68, %swap3A_69, %swap3A_70], %swap3A_73 {strides = array<i32>} : memref<1x128x128xf32, #tpu.memory_space<vmem>>, vector<1x128x128xf32>,
    %get3A_74 = arith.constant 0 : index
    %get3A_75 = arith.constant 0 : index
    %get3A_76 = arith.constant 0 : index
    %get3A_77 = vector.load %arg3[%get3A_74, %get3A_75, %get3A_76] : memref<1x1x2xf32, #tpu.memory_space<vmem>>, vector<1x1x1xf32>
    %get3A_78 = vector.extract %get3A_77[0, 0, 0] : f32 from vector<1x1x1xf32>
    %get3A_79 = arith.constant 0 : index
    %get3A_80 = arith.constant 0 : index
    %get3A_81 = arith.constant 1 : index
    %get3A_82 = vector.load %arg3[%get3A_79, %get3A_80, %get3A_81] : memref<1x1x2xf32, #tpu.memory_space<vmem>>, vector<1x1x1xf32>
    %get3A_83 = vector.extract %get3A_82[0, 0, 0] : f32 from vector<1x1x1xf32>
    %scan3A_84 = arith.constant 0 : i32
    %scan3A_85 = arith.constant 100 : i32
    %scan3A_86 = arith.addi %scan3A_84, %scan3A_85 : i32
    %scan3A_87 = arith.constant 4 : i32
    scf.for %scan3A_89 = %scan3A_84 to %scan3A_86 step %scan3A_87  : i32 {
      %get3A_90 = arith.index_cast %scan3A_89 : i32 to index
      %get3A_91 = arith.constant 0 : index
      %get3A_92 = vector.load %arg12[%get3A_90, %get3A_91] : memref<128x1xi32, #tpu.memory_space<vmem>>, vector<1x1xi32>
      %get3A_93 = vector.extract %get3A_92[0, 0] : i32 from vector<1x1xi32>
      %div3A_94 = arith.constant 91 : i32
      %div3A_95 = arith.divsi %get3A_93, %div3A_94 : i32
      %div3A_96 = arith.constant 4 : i32
      %div3A_97 = arith.divsi %div3A_95, %div3A_96 : i32
      %get3A_98 = arith.constant 0 : index
      %get3A_99 = arith.index_cast %div3A_97 : i32 to index
      %get3A_100 = arith.constant 0 : index
      %get3A_101 = vector.load %arg2[%get3A_98, %get3A_99, %get3A_100] : memref<1x5000x16xf32, #tpu.memory_space<vmem>>, vector<1x1x16xf32>
      %get3A_102 = vector.shape_cast %get3A_101 : vector<1x1x16xf32> to vector<1x16xf32>
      %rem3A_103 = arith.constant 4 : i32
      %rem3A_104 = arith.remsi %div3A_95, %rem3A_103 : i32
      %eq3A_105 = arith.constant 0 : i32
      %eq3A_106 = arith.cmpi eq, %rem3A_104, %eq3A_105 : i32
      %slice3A = vector.extract_strided_slice %get3A_102 {offsets = [0, 0], sizes = [1, 4], strides = [1, 1]} : vector<1x16xf32> to vector<1x4xf32>
      %eq3A_107 = arith.constant 1 : i32
      %eq3A_108 = arith.cmpi eq, %rem3A_104, %eq3A_107 : i32
      %slice3A_109 = vector.extract_strided_slice %get3A_102 {offsets = [0, 4], sizes = [1, 4], strides = [1, 1]} : vector<1x16xf32> to vector<1x4xf32>
      %eq3A_110 = arith.constant 2 : i32
      %eq3A_111 = arith.cmpi eq, %rem3A_104, %eq3A_110 : i32
      %slice3A_112 = vector.extract_strided_slice %get3A_102 {offsets = [0, 8], sizes = [1, 4], strides = [1, 1]} : vector<1x16xf32> to vector<1x4xf32>
      %slice3A_113 = vector.extract_strided_slice %get3A_102 {offsets = [0, 12], sizes = [1, 4], strides = [1, 1]} : vector<1x16xf32> to vector<1x4xf32>
      %select_n3A_114 = arith.select %eq3A_111, %slice3A_112, %slice3A_113 : vector<1x4xf32>
      %select_n3A_115 = arith.select %eq3A_108, %slice3A_109, %select_n3A_114 : vector<1x4xf32>
      %select_n3A_116 = arith.select %eq3A_106, %slice3A, %select_n3A_115 : vector<1x4xf32>
      %slice3A_117 = vector.extract_strided_slice %select_n3A_116 {offsets = [0, 0], sizes = [1, 1], strides = [1, 1]} : vector<1x4xf32> to vector<1x1xf32>
      %slice3A_118 = vector.extract_strided_slice %select_n3A_116 {offsets = [0, 1], sizes = [1, 1], strides = [1, 1]} : vector<1x4xf32> to vector<1x1xf32>
      %slice3A_119 = vector.extract_strided_slice %select_n3A_116 {offsets = [0, 2], sizes = [1, 1], strides = [1, 1]} : vector<1x4xf32> to vector<1x1xf32>
      %slice3A_120 = vector.extract_strided_slice %select_n3A_116 {offsets = [0, 3], sizes = [1, 1], strides = [1, 1]} : vector<1x4xf32> to vector<1x1xf32>
      %mul3A_121 = arith.constant 5.000000e-01 : f32
      %mul3A_122 = vector.broadcast %mul3A_121 : f32 to vector<1x1xf32>
      %mul3A_123 = arith.mulf %mul3A_122, %slice3A_119 : vector<1x1xf32>
      %sub3A = arith.subf %slice3A_117, %mul3A_123 : vector<1x1xf32>
      %mul3A_124 = vector.broadcast %get3A_83 : f32 to vector<1x1xf32>
      %mul3A_125 = arith.mulf %sub3A, %mul3A_124 : vector<1x1xf32>
      %mul3A_126 = arith.constant 5.000000e-01 : f32
      %mul3A_127 = vector.broadcast %mul3A_126 : f32 to vector<1x1xf32>
      %mul3A_128 = arith.mulf %mul3A_127, %slice3A_120 : vector<1x1xf32>
      %sub3A_129 = arith.subf %slice3A_118, %mul3A_128 : vector<1x1xf32>
      %mul3A_130 = vector.broadcast %get3A_78 : f32 to vector<1x1xf32>
      %mul3A_131 = arith.mulf %sub3A_129, %mul3A_130 : vector<1x1xf32>
      %mul3A_132 = arith.constant 5.000000e-01 : f32
      %mul3A_133 = vector.broadcast %mul3A_132 : f32 to vector<1x1xf32>
      %mul3A_134 = arith.mulf %mul3A_133, %slice3A_119 : vector<1x1xf32>
      %add3A_135 = arith.addf %slice3A_117, %mul3A_134 : vector<1x1xf32>
      %mul3A_136 = vector.broadcast %get3A_83 : f32 to vector<1x1xf32>
      %mul3A_137 = arith.mulf %add3A_135, %mul3A_136 : vector<1x1xf32>
      %mul3A_138 = arith.constant 5.000000e-01 : f32
      %mul3A_139 = vector.broadcast %mul3A_138 : f32 to vector<1x1xf32>
      %mul3A_140 = arith.mulf %mul3A_139, %slice3A_120 : vector<1x1xf32>
      %add3A_141 = arith.addf %slice3A_118, %mul3A_140 : vector<1x1xf32>
      %mul3A_142 = vector.broadcast %get3A_78 : f32 to vector<1x1xf32>
      %mul3A_143 = arith.mulf %add3A_141, %mul3A_142 : vector<1x1xf32>
      %concatenate3A = tpu.concatenate %mul3A_125, %mul3A_131, %mul3A_137, %mul3A_143 in 1 : vector<1x1xf32>, vector<1x1xf32>, vector<1x1xf32>, vector<1x1xf32> -> vector<1x4xf32>
      %swap3A_144 = arith.constant 0 : index
      %swap3A_145 = arith.index_cast %scan3A_89 : i32 to index
      %swap3A_146 = arith.constant 0 : index
      %swap3A_147 = vector.load %arg6[%swap3A_144, %swap3A_145, %swap3A_146] : memref<1x128x4xf32, #tpu.memory_space<vmem>>, vector<1x1x4xf32>
      %swap3A_148 = vector.shape_cast %swap3A_147 : vector<1x1x4xf32> to vector<1x4xf32>
      %swap3A_149 = vector.shape_cast %concatenate3A : vector<1x4xf32> to vector<1x1x4xf32>
      tpu.vector_store %arg6[%swap3A_144, %swap3A_145, %swap3A_146], %swap3A_149 {strides = array<i32>} : memref<1x128x4xf32, #tpu.memory_space<vmem>>, vector<1x1x4xf32>,
      %scan3A_150 = arith.constant 1 : i32
      %scan3A_151 = arith.addi %scan3A_89, %scan3A_150 : i32
      %get3A_152 = arith.index_cast %scan3A_151 : i32 to index
      %get3A_153 = arith.constant 0 : index
      %get3A_154 = vector.load %arg12[%get3A_152, %get3A_153] : memref<128x1xi32, #tpu.memory_space<vmem>>, vector<1x1xi32>
      %get3A_155 = vector.extract %get3A_154[0, 0] : i32 from vector<1x1xi32>
      %div3A_156 = arith.constant 91 : i32
      %div3A_157 = arith.divsi %get3A_155, %div3A_156 : i32
      %div3A_158 = arith.constant 4 : i32
      %div3A_159 = arith.divsi %div3A_157, %div3A_158 : i32
      %get3A_160 = arith.constant 0 : index
      %get3A_161 = arith.index_cast %div3A_159 : i32 to index
      %get3A_162 = arith.constant 0 : index
      %get3A_163 = vector.load %arg2[%get3A_160, %get3A_161, %get3A_162] : memref<1x5000x16xf32, #tpu.memory_space<vmem>>, vector<1x1x16xf32>
      %get3A_164 = vector.shape_cast %get3A_163 : vector<1x1x16xf32> to vector<1x16xf32>
      %rem3A_165 = arith.constant 4 : i32
      %rem3A_166 = arith.remsi %div3A_157, %rem3A_165 : i32
      %eq3A_167 = arith.constant 0 : i32
      %eq3A_168 = arith.cmpi eq, %rem3A_166, %eq3A_167 : i32
      %slice3A_169 = vector.extract_strided_slice %get3A_164 {offsets = [0, 0], sizes = [1, 4], strides = [1, 1]} : vector<1x16xf32> to vector<1x4xf32>
      %eq3A_170 = arith.constant 1 : i32
      %eq3A_171 = arith.cmpi eq, %rem3A_166, %eq3A_170 : i32
      %slice3A_172 = vector.extract_strided_slice %get3A_164 {offsets = [0, 4], sizes = [1, 4], strides = [1, 1]} : vector<1x16xf32> to vector<1x4xf32>
      %eq3A_173 = arith.constant 2 : i32
      %eq3A_174 = arith.cmpi eq, %rem3A_166, %eq3A_173 : i32
      %slice3A_175 = vector.extract_strided_slice %get3A_164 {offsets = [0, 8], sizes = [1, 4], strides = [1, 1]} : vector<1x16xf32> to vector<1x4xf32>
      %slice3A_176 = vector.extract_strided_slice %get3A_164 {offsets = [0, 12], sizes = [1, 4], strides = [1, 1]} : vector<1x16xf32> to vector<1x4xf32>
      %select_n3A_177 = arith.select %eq3A_174, %slice3A_175, %slice3A_176 : vector<1x4xf32>
      %select_n3A_178 = arith.select %eq3A_171, %slice3A_172, %select_n3A_177 : vector<1x4xf32>
      %select_n3A_179 = arith.select %eq3A_168, %slice3A_169, %select_n3A_178 : vector<1x4xf32>
      %slice3A_180 = vector.extract_strided_slice %select_n3A_179 {offsets = [0, 0], sizes = [1, 1], strides = [1, 1]} : vector<1x4xf32> to vector<1x1xf32>
      %slice3A_181 = vector.extract_strided_slice %select_n3A_179 {offsets = [0, 1], sizes = [1, 1], strides = [1, 1]} : vector<1x4xf32> to vector<1x1xf32>
      %slice3A_182 = vector.extract_strided_slice %select_n3A_179 {offsets = [0, 2], sizes = [1, 1], strides = [1, 1]} : vector<1x4xf32> to vector<1x1xf32>
      %slice3A_183 = vector.extract_strided_slice %select_n3A_179 {offsets = [0, 3], sizes = [1, 1], strides = [1, 1]} : vector<1x4xf32> to vector<1x1xf32>
      %mul3A_184 = arith.constant 5.000000e-01 : f32
      %mul3A_185 = vector.broadcast %mul3A_184 : f32 to vector<1x1xf32>
      %mul3A_186 = arith.mulf %mul3A_185, %slice3A_182 : vector<1x1xf32>
      %sub3A_187 = arith.subf %slice3A_180, %mul3A_186 : vector<1x1xf32>
      %mul3A_188 = vector.broadcast %get3A_83 : f32 to vector<1x1xf32>
      %mul3A_189 = arith.mulf %sub3A_187, %mul3A_188 : vector<1x1xf32>
      %mul3A_190 = arith.constant 5.000000e-01 : f32
      %mul3A_191 = vector.broadcast %mul3A_190 : f32 to vector<1x1xf32>
      %mul3A_192 = arith.mulf %mul3A_191, %slice3A_183 : vector<1x1xf32>
      %sub3A_193 = arith.subf %slice3A_181, %mul3A_192 : vector<1x1xf32>
      %mul3A_194 = vector.broadcast %get3A_78 : f32 to vector<1x1xf32>
      %mul3A_195 = arith.mulf %sub3A_193, %mul3A_194 : vector<1x1xf32>
      %mul3A_196 = arith.constant 5.000000e-01 : f32
      %mul3A_197 = vector.broadcast %mul3A_196 : f32 to vector<1x1xf32>
      %mul3A_198 = arith.mulf %mul3A_197, %slice3A_182 : vector<1x1xf32>
      %add3A_199 = arith.addf %slice3A_180, %mul3A_198 : vector<1x1xf32>
      %mul3A_200 = vector.broadcast %get3A_83 : f32 to vector<1x1xf32>
      %mul3A_201 = arith.mulf %add3A_199, %mul3A_200 : vector<1x1xf32>
      %mul3A_202 = arith.constant 5.000000e-01 : f32
      %mul3A_203 = vector.broadcast %mul3A_202 : f32 to vector<1x1xf32>
      %mul3A_204 = arith.mulf %mul3A_203, %slice3A_183 : vector<1x1xf32>
      %add3A_205 = arith.addf %slice3A_181, %mul3A_204 : vector<1x1xf32>
      %mul3A_206 = vector.broadcast %get3A_78 : f32 to vector<1x1xf32>
      %mul3A_207 = arith.mulf %add3A_205, %mul3A_206 : vector<1x1xf32>
      %concatenate3A_208 = tpu.concatenate %mul3A_189, %mul3A_195, %mul3A_201, %mul3A_207 in 1 : vector<1x1xf32>, vector<1x1xf32>, vector<1x1xf32>, vector<1x1xf32> -> vector<1x4xf32>
      %swap3A_209 = arith.constant 0 : index
      %swap3A_210 = arith.index_cast %scan3A_151 : i32 to index
      %swap3A_211 = arith.constant 0 : index
      %swap3A_212 = vector.load %arg6[%swap3A_209, %swap3A_210, %swap3A_211] : memref<1x128x4xf32, #tpu.memory_space<vmem>>, vector<1x1x4xf32>
      %swap3A_213 = vector.shape_cast %swap3A_212 : vector<1x1x4xf32> to vector<1x4xf32>
      %swap3A_214 = vector.shape_cast %concatenate3A_208 : vector<1x4xf32> to vector<1x1x4xf32>
      tpu.vector_store %arg6[%swap3A_209, %swap3A_210, %swap3A_211], %swap3A_214 {strides = array<i32>} : memref<1x128x4xf32, #tpu.memory_space<vmem>>, vector<1x1x4xf32>,
      %scan3A_215 = arith.constant 2 : i32
      %scan3A_216 = arith.addi %scan3A_89, %scan3A_215 : i32
      %get3A_217 = arith.index_cast %scan3A_216 : i32 to index
      %get3A_218 = arith.constant 0 : index
      %get3A_219 = vector.load %arg12[%get3A_217, %get3A_218] : memref<128x1xi32, #tpu.memory_space<vmem>>, vector<1x1xi32>
      %get3A_220 = vector.extract %get3A_219[0, 0] : i32 from vector<1x1xi32>
      %div3A_221 = arith.constant 91 : i32
      %div3A_222 = arith.divsi %get3A_220, %div3A_221 : i32
      %div3A_223 = arith.constant 4 : i32
      %div3A_224 = arith.divsi %div3A_222, %div3A_223 : i32
      %get3A_225 = arith.constant 0 : index
      %get3A_226 = arith.index_cast %div3A_224 : i32 to index
      %get3A_227 = arith.constant 0 : index
      %get3A_228 = vector.load %arg2[%get3A_225, %get3A_226, %get3A_227] : memref<1x5000x16xf32, #tpu.memory_space<vmem>>, vector<1x1x16xf32>
      %get3A_229 = vector.shape_cast %get3A_228 : vector<1x1x16xf32> to vector<1x16xf32>
      %rem3A_230 = arith.constant 4 : i32
      %rem3A_231 = arith.remsi %div3A_222, %rem3A_230 : i32
      %eq3A_232 = arith.constant 0 : i32
      %eq3A_233 = arith.cmpi eq, %rem3A_231, %eq3A_232 : i32
      %slice3A_234 = vector.extract_strided_slice %get3A_229 {offsets = [0, 0], sizes = [1, 4], strides = [1, 1]} : vector<1x16xf32> to vector<1x4xf32>
      %eq3A_235 = arith.constant 1 : i32
      %eq3A_236 = arith.cmpi eq, %rem3A_231, %eq3A_235 : i32
      %slice3A_237 = vector.extract_strided_slice %get3A_229 {offsets = [0, 4], sizes = [1, 4], strides = [1, 1]} : vector<1x16xf32> to vector<1x4xf32>
      %eq3A_238 = arith.constant 2 : i32
      %eq3A_239 = arith.cmpi eq, %rem3A_231, %eq3A_238 : i32
      %slice3A_240 = vector.extract_strided_slice %get3A_229 {offsets = [0, 8], sizes = [1, 4], strides = [1, 1]} : vector<1x16xf32> to vector<1x4xf32>
      %slice3A_241 = vector.extract_strided_slice %get3A_229 {offsets = [0, 12], sizes = [1, 4], strides = [1, 1]} : vector<1x16xf32> to vector<1x4xf32>
      %select_n3A_242 = arith.select %eq3A_239, %slice3A_240, %slice3A_241 : vector<1x4xf32>
      %select_n3A_243 = arith.select %eq3A_236, %slice3A_237, %select_n3A_242 : vector<1x4xf32>
      %select_n3A_244 = arith.select %eq3A_233, %slice3A_234, %select_n3A_243 : vector<1x4xf32>
      %slice3A_245 = vector.extract_strided_slice %select_n3A_244 {offsets = [0, 0], sizes = [1, 1], strides = [1, 1]} : vector<1x4xf32> to vector<1x1xf32>
      %slice3A_246 = vector.extract_strided_slice %select_n3A_244 {offsets = [0, 1], sizes = [1, 1], strides = [1, 1]} : vector<1x4xf32> to vector<1x1xf32>
      %slice3A_247 = vector.extract_strided_slice %select_n3A_244 {offsets = [0, 2], sizes = [1, 1], strides = [1, 1]} : vector<1x4xf32> to vector<1x1xf32>
      %slice3A_248 = vector.extract_strided_slice %select_n3A_244 {offsets = [0, 3], sizes = [1, 1], strides = [1, 1]} : vector<1x4xf32> to vector<1x1xf32>
      %mul3A_249 = arith.constant 5.000000e-01 : f32
      %mul3A_250 = vector.broadcast %mul3A_249 : f32 to vector<1x1xf32>
      %mul3A_251 = arith.mulf %mul3A_250, %slice3A_247 : vector<1x1xf32>
      %sub3A_252 = arith.subf %slice3A_245, %mul3A_251 : vector<1x1xf32>
      %mul3A_253 = vector.broadcast %get3A_83 : f32 to vector<1x1xf32>
      %mul3A_254 = arith.mulf %sub3A_252, %mul3A_253 : vector<1x1xf32>
      %mul3A_255 = arith.constant 5.000000e-01 : f32
      %mul3A_256 = vector.broadcast %mul3A_255 : f32 to vector<1x1xf32>
      %mul3A_257 = arith.mulf %mul3A_256, %slice3A_248 : vector<1x1xf32>
      %sub3A_258 = arith.subf %slice3A_246, %mul3A_257 : vector<1x1xf32>
      %mul3A_259 = vector.broadcast %get3A_78 : f32 to vector<1x1xf32>
      %mul3A_260 = arith.mulf %sub3A_258, %mul3A_259 : vector<1x1xf32>
      %mul3A_261 = arith.constant 5.000000e-01 : f32
      %mul3A_262 = vector.broadcast %mul3A_261 : f32 to vector<1x1xf32>
      %mul3A_263 = arith.mulf %mul3A_262, %slice3A_247 : vector<1x1xf32>
      %add3A_264 = arith.addf %slice3A_245, %mul3A_263 : vector<1x1xf32>
      %mul3A_265 = vector.broadcast %get3A_83 : f32 to vector<1x1xf32>
      %mul3A_266 = arith.mulf %add3A_264, %mul3A_265 : vector<1x1xf32>
      %mul3A_267 = arith.constant 5.000000e-01 : f32
      %mul3A_268 = vector.broadcast %mul3A_267 : f32 to vector<1x1xf32>
      %mul3A_269 = arith.mulf %mul3A_268, %slice3A_248 : vector<1x1xf32>
      %add3A_270 = arith.addf %slice3A_246, %mul3A_269 : vector<1x1xf32>
      %mul3A_271 = vector.broadcast %get3A_78 : f32 to vector<1x1xf32>
      %mul3A_272 = arith.mulf %add3A_270, %mul3A_271 : vector<1x1xf32>
      %concatenate3A_273 = tpu.concatenate %mul3A_254, %mul3A_260, %mul3A_266, %mul3A_272 in 1 : vector<1x1xf32>, vector<1x1xf32>, vector<1x1xf32>, vector<1x1xf32> -> vector<1x4xf32>
      %swap3A_274 = arith.constant 0 : index
      %swap3A_275 = arith.index_cast %scan3A_216 : i32 to index
      %swap3A_276 = arith.constant 0 : index
      %swap3A_277 = vector.load %arg6[%swap3A_274, %swap3A_275, %swap3A_276] : memref<1x128x4xf32, #tpu.memory_space<vmem>>, vector<1x1x4xf32>
      %swap3A_278 = vector.shape_cast %swap3A_277 : vector<1x1x4xf32> to vector<1x4xf32>
      %swap3A_279 = vector.shape_cast %concatenate3A_273 : vector<1x4xf32> to vector<1x1x4xf32>
      tpu.vector_store %arg6[%swap3A_274, %swap3A_275, %swap3A_276], %swap3A_279 {strides = array<i32>} : memref<1x128x4xf32, #tpu.memory_space<vmem>>, vector<1x1x4xf32>,
      %scan3A_280 = arith.constant 3 : i32
      %scan3A_281 = arith.addi %scan3A_89, %scan3A_280 : i32
      %get3A_282 = arith.index_cast %scan3A_281 : i32 to index
      %get3A_283 = arith.constant 0 : index
      %get3A_284 = vector.load %arg12[%get3A_282, %get3A_283] : memref<128x1xi32, #tpu.memory_space<vmem>>, vector<1x1xi32>
      %get3A_285 = vector.extract %get3A_284[0, 0] : i32 from vector<1x1xi32>
      %div3A_286 = arith.constant 91 : i32
      %div3A_287 = arith.divsi %get3A_285, %div3A_286 : i32
      %div3A_288 = arith.constant 4 : i32
      %div3A_289 = arith.divsi %div3A_287, %div3A_288 : i32
      %get3A_290 = arith.constant 0 : index
      %get3A_291 = arith.index_cast %div3A_289 : i32 to index
      %get3A_292 = arith.constant 0 : index
      %get3A_293 = vector.load %arg2[%get3A_290, %get3A_291, %get3A_292] : memref<1x5000x16xf32, #tpu.memory_space<vmem>>, vector<1x1x16xf32>
      %get3A_294 = vector.shape_cast %get3A_293 : vector<1x1x16xf32> to vector<1x16xf32>
      %rem3A_295 = arith.constant 4 : i32
      %rem3A_296 = arith.remsi %div3A_287, %rem3A_295 : i32
      %eq3A_297 = arith.constant 0 : i32
      %eq3A_298 = arith.cmpi eq, %rem3A_296, %eq3A_297 : i32
      %slice3A_299 = vector.extract_strided_slice %get3A_294 {offsets = [0, 0], sizes = [1, 4], strides = [1, 1]} : vector<1x16xf32> to vector<1x4xf32>
      %eq3A_300 = arith.constant 1 : i32
      %eq3A_301 = arith.cmpi eq, %rem3A_296, %eq3A_300 : i32
      %slice3A_302 = vector.extract_strided_slice %get3A_294 {offsets = [0, 4], sizes = [1, 4], strides = [1, 1]} : vector<1x16xf32> to vector<1x4xf32>
      %eq3A_303 = arith.constant 2 : i32
      %eq3A_304 = arith.cmpi eq, %rem3A_296, %eq3A_303 : i32
      %slice3A_305 = vector.extract_strided_slice %get3A_294 {offsets = [0, 8], sizes = [1, 4], strides = [1, 1]} : vector<1x16xf32> to vector<1x4xf32>
      %slice3A_306 = vector.extract_strided_slice %get3A_294 {offsets = [0, 12], sizes = [1, 4], strides = [1, 1]} : vector<1x16xf32> to vector<1x4xf32>
      %select_n3A_307 = arith.select %eq3A_304, %slice3A_305, %slice3A_306 : vector<1x4xf32>
      %select_n3A_308 = arith.select %eq3A_301, %slice3A_302, %select_n3A_307 : vector<1x4xf32>
      %select_n3A_309 = arith.select %eq3A_298, %slice3A_299, %select_n3A_308 : vector<1x4xf32>
      %slice3A_310 = vector.extract_strided_slice %select_n3A_309 {offsets = [0, 0], sizes = [1, 1], strides = [1, 1]} : vector<1x4xf32> to vector<1x1xf32>
      %slice3A_311 = vector.extract_strided_slice %select_n3A_309 {offsets = [0, 1], sizes = [1, 1], strides = [1, 1]} : vector<1x4xf32> to vector<1x1xf32>
      %slice3A_312 = vector.extract_strided_slice %select_n3A_309 {offsets = [0, 2], sizes = [1, 1], strides = [1, 1]} : vector<1x4xf32> to vector<1x1xf32>
      %slice3A_313 = vector.extract_strided_slice %select_n3A_309 {offsets = [0, 3], sizes = [1, 1], strides = [1, 1]} : vector<1x4xf32> to vector<1x1xf32>
      %mul3A_314 = arith.constant 5.000000e-01 : f32
      %mul3A_315 = vector.broadcast %mul3A_314 : f32 to vector<1x1xf32>
      %mul3A_316 = arith.mulf %mul3A_315, %slice3A_312 : vector<1x1xf32>
      %sub3A_317 = arith.subf %slice3A_310, %mul3A_316 : vector<1x1xf32>
      %mul3A_318 = vector.broadcast %get3A_83 : f32 to vector<1x1xf32>
      %mul3A_319 = arith.mulf %sub3A_317, %mul3A_318 : vector<1x1xf32>
      %mul3A_320 = arith.constant 5.000000e-01 : f32
      %mul3A_321 = vector.broadcast %mul3A_320 : f32 to vector<1x1xf32>
      %mul3A_322 = arith.mulf %mul3A_321, %slice3A_313 : vector<1x1xf32>
      %sub3A_323 = arith.subf %slice3A_311, %mul3A_322 : vector<1x1xf32>
      %mul3A_324 = vector.broadcast %get3A_78 : f32 to vector<1x1xf32>
      %mul3A_325 = arith.mulf %sub3A_323, %mul3A_324 : vector<1x1xf32>
      %mul3A_326 = arith.constant 5.000000e-01 : f32
      %mul3A_327 = vector.broadcast %mul3A_326 : f32 to vector<1x1xf32>
      %mul3A_328 = arith.mulf %mul3A_327, %slice3A_312 : vector<1x1xf32>
      %add3A_329 = arith.addf %slice3A_310, %mul3A_328 : vector<1x1xf32>
      %mul3A_330 = vector.broadcast %get3A_83 : f32 to vector<1x1xf32>
      %mul3A_331 = arith.mulf %add3A_329, %mul3A_330 : vector<1x1xf32>
      %mul3A_332 = arith.constant 5.000000e-01 : f32
      %mul3A_333 = vector.broadcast %mul3A_332 : f32 to vector<1x1xf32>
      %mul3A_334 = arith.mulf %mul3A_333, %slice3A_313 : vector<1x1xf32>
      %add3A_335 = arith.addf %slice3A_311, %mul3A_334 : vector<1x1xf32>
      %mul3A_336 = vector.broadcast %get3A_78 : f32 to vector<1x1xf32>
      %mul3A_337 = arith.mulf %add3A_335, %mul3A_336 : vector<1x1xf32>
      %concatenate3A_338 = tpu.concatenate %mul3A_319, %mul3A_325, %mul3A_331, %mul3A_337 in 1 : vector<1x1xf32>, vector<1x1xf32>, vector<1x1xf32>, vector<1x1xf32> -> vector<1x4xf32>
      %swap3A_339 = arith.constant 0 : index
      %swap3A_340 = arith.index_cast %scan3A_281 : i32 to index
      %swap3A_341 = arith.constant 0 : index
      %swap3A_342 = vector.load %arg6[%swap3A_339, %swap3A_340, %swap3A_341] : memref<1x128x4xf32, #tpu.memory_space<vmem>>, vector<1x1x4xf32>
      %swap3A_343 = vector.shape_cast %swap3A_342 : vector<1x1x4xf32> to vector<1x4xf32>
      %swap3A_344 = vector.shape_cast %concatenate3A_338 : vector<1x4xf32> to vector<1x1x4xf32>
      tpu.vector_store %arg6[%swap3A_339, %swap3A_340, %swap3A_341], %swap3A_344 {strides = array<i32>} : memref<1x128x4xf32, #tpu.memory_space<vmem>>, vector<1x1x4xf32>,
    }
    %scan3A_88 = arith.constant 100 : i32
    return
  }
  func.func @transform_0(%arg0: i32) -> (i32, i32, i32) {
    %c0_i32 = arith.constant 0 : i32
    %c0_i32_0 = arith.constant 0 : i32
    %c0_i32_1 = arith.constant 0 : i32
    return %arg0, %c0_i32, %c0_i32_0 : i32, i32, i32
  }
  func.func @transform_1(%arg0: i32) -> (i32, i32, i32) {
    %c0_i32 = arith.constant 0 : i32
    %c0_i32_0 = arith.constant 0 : i32
    %c0_i32_1 = arith.constant 0 : i32
    return %arg0, %c0_i32, %c0_i32_0 : i32, i32, i32
  }
  func.func @transform_2(%arg0: i32) -> (i32, i32, i32) {
    %c0_i32 = arith.constant 0 : i32
    %c0_i32_0 = arith.constant 0 : i32
    %c0_i32_1 = arith.constant 0 : i32
    return %arg0, %c0_i32, %c0_i32_0 : i32, i32, i32
  }
  func.func @transform_3(%arg0: i32) -> (i32, i32, i32) {
    %c0_i32 = arith.constant 0 : i32
    %c0_i32_0 = arith.constant 0 : i32
    %c0_i32_1 = arith.constant 0 : i32
    return %arg0, %c0_i32, %c0_i32_0 : i32, i32, i32
  }
  func.func @transform_4(%arg0: i32) -> (i32, i32, i32) {
    %c0_i32 = arith.constant 0 : i32
    %c0_i32_0 = arith.constant 0 : i32
    %c0_i32_1 = arith.constant 0 : i32
    return %arg0, %c0_i32, %c0_i32_0 : i32, i32, i32
  }
  func.func @transform_5(%arg0: i32) -> (i32, i32, i32) {
    %c0_i32 = arith.constant 0 : i32
    %c0_i32_0 = arith.constant 0 : i32
    %c0_i32_1 = arith.constant 0 : i32
    return %arg0, %c0_i32, %c0_i32_0 : i32, i32, i32
  }
  func.func @transform_6(%arg0: i32) -> (i32, i32, i32) {
    %c0_i32 = arith.constant 0 : i32
    %c0_i32_0 = arith.constant 0 : i32
    %c0_i32_1 = arith.constant 0 : i32
    return %arg0, %c0_i32, %c0_i32_0 : i32, i32, i32
  }
}

</mosaic_0001>

<sc_bundles>
// kernel: sparse-core-data-format-call.cloned.1.call-start
scs
called_computation_lowered:
.L_overlay_start_0:
0x0: {  	s1 =	sld [smem:$0x3FD9]  }
0x1: {  	s2 =	sld [smem:$0x3FFE];
	_ =	sdelay $0x1  }
0x2: {  	s3 =	srdreg.scid  }
0x3: {  	s0 =	sand.u32 $0x1, s3  }
0x4: {  	s17 =	sshll.u32 s0, $0xA;
	s1 =	sadd.s32 s2, s1  }
0x5: {  	s1 =	sadd.s32 s1, s17  }
0x6: {  	[smem:$0x3FC5] =	sst s1  }
0x7: {  	_ = 	snop  }
0x8: {  	(tm) =	ssettm $0x1  }
0x9: {  	s18 =	sld [smem:$0x3FFB];
	_ =	sdelay $0x3  }
0xa: {  	_ =	strace s18  }
0xb: {  	s1 =	sld [smem:$0x3FFC];
	_ =	sdelay $0x3  }
0xc: {  	_ =	strace s1  }
0xd: {  	s1 =	sld [smem:$0x3FFD];
	_ =	sdelay $0x3  }
0xe: {  	_ =	strace s1  }
0xf: {  	_ =	strace $0x8FFFFFFF  }
0x10: {  	s19 =	sld [smem:$0x3FDB];
	_ =	sdelay $0x1  }
0x11: {  	s20 =	simm.s32 $_scs_section_size  }
0x12: {  	s4 =	simm.s32 $_size__tile_overlayer_lowered;
	s5 =	simm.s32 $_tile_overlayer_lowered  }
0x13: {  	s23 =	simm.s32 $0x1BFF;
	s22 =	sshll.u32 s5, $0x1;
	s1 =	sadd.s32 s20, s19  }
0x14: {  	s6 =	simm.s32 $0x0;
	s21 =	sshll.u32 s4, $0x1;
	s4 =	sadd.s32 s22, s1  }
0x15: {  	[timem:s6], [sflag:s23] =	dma.local [hbm:s4], s21  }
0x16: {  	_ =	swait.ge [sflag:s23], s21  }
0x17: {  	s2 =	ssub.s32 $0x0, s21;
	[sflag:s23] =	ssyncset.done $0x0  }
0x18: {  	[sflag:s23] =	ssyncadd.s32 s2;
	_ =	sdelay $0x1  }
0x19: {  	s24 =	simm.s32 $0x1B8B  }
0x1a: {  	_ =	swait.ge [sflag:s24], $0x1  }
0x1b: {  	[sflag:s24] =	ssyncset.done $0x0  }
0x1c: {  	s26 =	simm.s32 $0x1B8E;
	s25 =	sld [smem:$0x3FFE];
	[sflag:s24] =	ssyncadd.s32 $0xFFFFFFFF  }
0x1d: {  	s27 =	simm.s32 $execute0_lowered;
	[smem:$0x3FD2] =	sst s26  }
0x1e: {  	s4 =	sshll.u32 s27, $0x1;
	_ =	strace $0x80000046;
	[dreg:$0x1] =	wrdreg $0xFFFFFFFF  }
0x1f: {  	s28 =	simm.s32 $_size_execute0_lowered;
	s1 =	sadd.s32 s1, s4;
	[dreg:$0x0] =	wrdreg $0x0  }
0x20: {  	s4 =	sshll.u32 s28, $0x1;
	[dreg:$0x2] =	wrdreg s1  }
0x21: {  	[dreg:$0x3] =	wrdreg s4  }
0x22: {  	[dreg:$0x4] =	wrdreg $0xC0  }
0x23: {  	_ =	task [dreg:s6], $0x5FFFF  }
0x24: {  	[dreg:$0x1] =	wrdreg $0xFFFFFFFF  }
0x25: {  	[dreg:$0x0] =	wrdreg $0x60  }
0x26: {  	[dreg:$0x2] =	wrdreg s25  }
0x27: {  	[dreg:$0x3] =	wrdreg $0x9  }
0x28: {  	_ =	task.clear_ibuf [dreg:s6], $0x4FFFF;
	_ =	strace $0x90000046  }
0x29: {  	s29 =	simm.s32 $0x9;
	_ =	strace $0x80000048  }
0x2a: {  	_ =	swait.ge [sflag:s29], $0x1  }
0x2b: {  	[sflag:s29] =	ssyncadd.s32 $0xFFFFFFFF  }
0x2c: {  	_ =	strace $0x90000048  }
0x2d: {  	_ =	sfence  }
0x2e: {  	s30 =	sld [smem:$0x0];
	_ =	sdelay $0x2  }
0x2f: {  	s31 =	sshll.u32 s3, $0xD;
	s3 =	sshrl.u32 s3, $0x2  }
0x30: {  	s2 =	sand.u32 $0x4000, s31;
	s1 =	sadd.s32 s3, s30  }
0x31: {  	s0 =	sor.u32 s2, s0;
	s1 =	sshll.u32 s1, $0x11  }
0x32: {  	s0 =	sor.u32 s1, s0  }
0x33: {  	s0 =	sadd.s32 $0x8F2B, s0  }
0x34: {  	[sflag:s0] =	ssyncadd.remote.s32 $0x1  }
0x35: {  	_ =	sfence.sel $0xFFFF  }
0x36: {  	[dreg:$0x0] =	wrdreg $0xFFFFFFFF;
	(pc) =	sbr.abs _section_cstart, $3  }
0x37: {  	[dreg:$0x1] =	wrdreg $0xFFFFFFFF  }
0x38: {  	_ =	task.clear_ibuf [dreg:s6], $0x2FFFF;
	_ =	strace $0x9FFFFFFF  }
0x39: {  	(tm) =	ssettm $0x7FFFFFFF  }
tec
execute0_lowered:
.L_overlay_start_1:
0x0: {  	(tag) =	ssettag $0x1  }
0x1: {  	s0 =	srdreg.scid  }
0x2: {  	s5 =	rddreg [dreg:$0x0];
	s1 =	sshll.u32 s0, $0x4  }
0x3: {  	s4 =	simm.s32 $0x1;
	s0 =	stileid.u32;
	s1 =	sand.u32 $0x10, s1  }
0x4: {  	s8 =	simm.s32 $0x2;
	s13 =	simm.s32 $0x0;
	s2 =	sor.u32 s0, s1  }
0x5: {  	s9 =	simm.s32 $0x1C0000;
	s10 =	simm.s32 $0x0;
	s2 =	sshll.u32 s2, $0x4  }
0x6: {  	s12 =	simm.s32 $0x0;
	s3 =	sadd.s32 $0x1BC800, s5;
	s6 =	ssub.s32 $0x3800, s2  }
.Ltmp0:
0x7: {  	s1 =	rddreg [dreg:$0x1];
	s7 =	sand.u32 $0x1F0, s6;
	(pc) =	sbr.rel .LBB1_1-.Ltmp0, $4  }
0x8: {  	_ =	strace $0x80000047;
	p0 =	sne.s32 s7, $0x0;
	s7 =	simm.s32 $0x1  }
0x9: {  	[sflag:s4] =	ssyncpa.u1 $0x0;
	s6 =	sshrl.u32 s6, $0x9;
	s7 =	simm.s32 @!p0 $0x0  }
0xa: {  	s5 =	sadd.s32 $0x37C800, s5;
	[sflag:s8] =	ssyncpa.u1 $0x0;
	s6 =	sadd.s32 s7, s6  }
0xb: {  	s8 =	simm.s32 $0x800;
	s11 =	smov.u32 s2;
	s7 =	sadd.s32 $0x1, s6  }
.LBB1_7:
0xc: {  	s15 =	sadd.s32 $0x200, s11  }
0xd: {  	p1 =	sgt.s32 s15, $0x37FF  }
0xe: {  	s15 =	smov.u32 @p1 s2;
	p1 =	sne.s32 s12, s7  }
.Ltmp1:
0xf: {  	p0 =	slt.u32 s12, $0x2;
	(pc) =	sbr.rel @!p1 .LBB1_8-.Ltmp1, $4  }
0x10: {  	s14 =	simm.s32 @!p0 $0x2  }
0x11: {  	s16 =	sadd.s32 $0x1, s12;
	_ =	swait.ge @!p0 [sflag:s14], $0x4000  }
0x12: {  	s13 =	smov.u32 s11;
	s10 =	sadd.s32 $0x4000, s10;
	[sflag:s14] =	ssyncset.done @!p0 $0x0  }
0x13: {  	s12 =	smov.u32 s16;
	s11 =	smov.u32 s15;
	[sflag:s14] =	ssyncadd.s32 @!p0 $0xFFFFC000  }
.LBB1_1:
0x14: {  	p0 =	sge.u32 s12, s6  }
0x15: {  	s14 =	sxor.u32 @!p0 $0xFFFFFFFF, s12  }
0x16: {  	s31 =	sadd.s32 $0xFFFFFFFF, s12;
	s15 =	sshll.u32 @!p0 s11, $0x7;
	s14 =	sshll.u32 @!p0 s14, $0xE  }
0x17: {  	s16 =	simm.s32 @!p0 $0x0;
	s15 =	sadd.s32 @!p0 s3, s15;
	s14 =	sand.u32 @!p0 $0x4000, s14  }
0x18: {  	[tilespmem:s14], [sflag:$0x1] =	stream.linear.gather @!p0 [hbm4b:s15+s16], $0x4000, $0x38;
	[tilespmem:$0x10000] =	vst v63  }
0x19: {  	p0 =	sge.u32 s31, s6  }
.Ltmp2:
0x1a: {  	_ = 	snop;
	(pc) =	sbr.rel @p0 .LBB1_7-.Ltmp2, $1  }
0x1b: {  	_ =	sdelay $0x3  }
0x1c: {  	s14 =	sand.u32 $0x4000, s10  }
0x1d: {  	_ =	swait.ge [sflag:s4], $0x4000;
	s17 =	sshll.u32 s12, $0xE;
	s15 =	sor.u32 $0x8040, s14  }
0x1e: {  	s16 =	sor.u32 $0x40, s14;
	[sflag:s4] =	ssyncset.done $0x0;
	s31 =	sand.u32 $0x4000, s17  }
0x1f: {  	s17 =	simm.s32 $0x0;
	[sflag:s4] =	ssyncadd.s32 $0xFFFFC000;
	s14 =	sor.u32 $0x8000, s31  }
.LBB1_3:
0x20: {  	v0 =	vmov s16;
	_ =	sdelay $0x3  }
0x21: {  	s19 =	simm.s32 $0x0  }
0x22: {  	v6 =	vld.idx.msk [tilespmem:v0+s19+$0x30 ss:$0x1], $0xffff  }
0x23: {  	v7 =	vld.idx.msk [tilespmem:v0+s19+$0xFFFFFFC0 ss:$0x1], $0xffff  }
0x24: {  	v5 =	vld.idx.msk [tilespmem:v0+s19+$0xFFFFFFD0 ss:$0x1], $0xffff  }
0x25: {  	v4 =	vld.idx.msk [tilespmem:v0+s19+$0xFFFFFFE0 ss:$0x1], $0xffff  }
0x26: {  	v3 =	vld.idx.msk [tilespmem:v0+s19+$0xFFFFFFF0 ss:$0x1], $0xffff  }
0x27: {  	v1 =	vld.idx.msk [tilespmem:v0+s19+$0x0 ss:$0x1], $0xffff  }
0x28: {  	v2 =	vld.idx.msk [tilespmem:v0+s19+$0x10 ss:$0x1], $0xffff;
	[tilespmem:s15+$0x30] =	vst v6  }
0x29: {  	s18 =	simm.s32 $0x80;
	s20 =	simm.s32 $0x400;
	[tilespmem:s15+$0xFFFFFFC0] =	vst v7;
	v6 =	vld.idx.msk [tilespmem:v0+s19+$0x20 ss:$0x1], $0xffff;
	s19 =	smov.u32 s15  }
.LBB1_4:
0x2a: {  	p0 =	sne.s32 s20, $0xE00;
	v7 =	vld.idx.msk [tilespmem:v0+s18+$0x30 ss:$0x1], $0xffff;
	[tilespmem:s19+$0xFFFFFFD0] =	vst v5  }
0x2b: {  	v8 =	vld.idx.msk [tilespmem:v0+s18+$0xFFFFFFC0 ss:$0x1], $0xffff;
	[tilespmem:s19+$0xFFFFFFE0] =	vst v4  }
0x2c: {  	v5 =	vld.idx.msk [tilespmem:v0+s18+$0xFFFFFFD0 ss:$0x1], $0xffff;
	[tilespmem:s19+$0xFFFFFFF0] =	vst v3  }
.Ltmp3:
0x2d: {  	v4 =	vld.idx.msk [tilespmem:v0+s18+$0xFFFFFFE0 ss:$0x1], $0xffff;
	[tilespmem:s19+$0x0] =	vst v1;
	(pc) =	sbr.rel @p0 .LBB1_4-.Ltmp3, $4  }
0x2e: {  	v3 =	vld.idx.msk [tilespmem:v0+s18+$0xFFFFFFF0 ss:$0x1], $0xffff;
	[tilespmem:s19+$0x10] =	vst v2  }
0x2f: {  	v1 =	vld.idx.msk [tilespmem:v0+s18+$0x0 ss:$0x1], $0xffff;
	[tilespmem:s19+$0x20] =	vst v6;
	s19 =	sadd.s32 $0x800, s19  }
0x30: {  	v2 =	vld.idx.msk [tilespmem:v0+s18+$0x10 ss:$0x1], $0xffff;
	[tilespmem:s19+$0x30] =	vst v7  }
0x31: {  	[tilespmem:s19+$0xFFFFFFC0] =	vst v8;
	v6 =	vld.idx.msk [tilespmem:v0+s18+$0x20 ss:$0x1], $0xffff;
	s18 =	sshra.s32 s20, $0x2;
	s20 =	sadd.s32 $0x200, s20  }
0x32: {  	_ =	sdelay $0x2  }
0x33: {  	[tilespmem:s19+$0xFFFFFFD0] =	vst v5  }
0x34: {  	v56 =	vld.idx.msk [tilespmem:v0+s18+$0x30 ss:$0x1], $0xffff;
	[tilespmem:s19+$0xFFFFFFE0] =	vst v4  }
0x35: {  	v57 =	vld.idx.msk [tilespmem:v0+s18+$0xFFFFFFC0 ss:$0x1], $0xffff;
	[tilespmem:s19+$0xFFFFFFF0] =	vst v3  }
0x36: {  	v58 =	vld.idx.msk [tilespmem:v0+s18+$0xFFFFFFD0 ss:$0x1], $0xffff;
	[tilespmem:s19+$0x0] =	vst v1  }
0x37: {  	v59 =	vld.idx.msk [tilespmem:v0+s18+$0xFFFFFFE0 ss:$0x1], $0xffff;
	[tilespmem:s19+$0x10] =	vst v2  }
0x38: {  	v60 =	vld.idx.msk [tilespmem:v0+s18+$0xFFFFFFF0 ss:$0x1], $0xffff;
	s31 =	sadd.s32 $0x800, s19;
	[tilespmem:s19+$0x20] =	vst v6  }
0x39: {  	v61 =	vld.idx.msk [tilespmem:v0+s18+$0x0 ss:$0x1], $0xffff;
	[tilespmem:s31+$0x30] =	vst v56  }
0x3a: {  	v62 =	vld.idx.msk [tilespmem:v0+s18+$0x10 ss:$0x1], $0xffff;
	s17 =	sadd.s32 $0x1, s17;
	[tilespmem:s31+$0xFFFFFFC0] =	vst v57  }
0x3b: {  	v63 =	vld.idx.msk [tilespmem:v0+s18+$0x20 ss:$0x1], $0xffff;
	p0 =	sne.s32 s17, $0x10;
	[tilespmem:s31+$0xFFFFFFD0] =	vst v58  }
.Ltmp4:
0x3c: {  	[tilespmem:s31+$0xFFFFFFE0] =	vst v59;
	(pc) =	sbr.rel @p0 .LBB1_3-.Ltmp4, $4  }
0x3d: {  	[tilespmem:s31+$0xFFFFFFF0] =	vst v60  }
0x3e: {  	[tilespmem:s31+$0x0] =	vst v61  }
0x3f: {  	[tilespmem:s31+$0x10] =	vst v62  }
0x40: {  	s15 =	sadd.s32 $0x80, s15;
	s16 =	sadd.s32 $0x400, s16;
	[tilespmem:s31+$0x20] =	vst v63  }
0x41: {  	s13 =	sand.u32 $0x1FFFFFF, s13  }
0x42: {  	s15 =	smulhi.u32 $0x2492493, s13;
	_ =	sdelay $0x1  }
0x43: {  	s15 =	sshrl.u32 s15, $0x7  }
0x44: {  	s15 =	smul.u32 $0x3800, s15  }
.Ltmp5:
0x45: {  	_ = 	snop;
	(pc) =	sbr.rel .LBB1_7-.Ltmp5, $4  }
0x46: {  	s13 =	ssub.s32 s13, s15  }
0x47: {  	s13 =	sshll.u32 s13, $0x4  }
0x48: {  	s13 =	sadd.s32 s5, s13  }
0x49: {  	[hbm4b:s13+s8] =	stream.strided.scatter [tilespmem:s14], [sflag:$0x2], $0x4000, s9, s8, $0x38;
	[tilespmem:$0x10000] =	vst v63  }
.LBB1_8:
0x4a: {  	_ =	sfence.sel $0x180000  }
0x4b: {  	s2 =	simm.s32 $0x1;
	[bflag:$0x0] =	sbarrier.arrive $0xFFFF  }
0x4c: {  	s31 =	simm.s32 $0x2;
	[sflag:s2] =	ssyncpa.u1 $0x1  }
0x4d: {  	[sflag:s31] =	ssyncpa.u1 $0x1  }
0x4e: {  	p0 =	sne.s32 s0, $0x0;
	_ =	strace $0x90000047  }
0x4f: {  	s0 =	sadd.s32 @!p0 $0x100000, s1;
	[bflag:$0x2] =	sbarrier.arrive $0xFFFF  }
0x50: {  	[sflag:s0] =	ssyncadd.tile.s32 @!p0 $0x1;
	_ =	shalt  }
.Lfunc_end1:
_tile_overlayer_lowered:
.L_overlay_start_2:
0x51: {  	(tag) =	ssettag $0x2  }
0x52: {  	s0 =	rddreg [dreg:$0x0];
	s2 =	stileid.u32  }
0x53: {  	s1 =	rddreg [dreg:$0x1];
	p0 =	sne.s32 s2, $0x0  }
0x54: {  	s3 =	rddreg [dreg:$0x2];
	[bflag:$0x3] =	sbarrier.arrive $0xFFFF;
	s2 =	simm.s32 @!p0 $0x1C01  }
0x55: {  	[timem:s3], [sflag:s2] =	dma.local @!p0 [hbm:s0], s1  }
0x56: {  	s0 =	simm.s32 @!p0 $0x1  }
0x57: {  	_ =	swait.ge @!p0 [sflag:s0], s1  }
0x58: {  	s1 =	ssub.s32 @!p0 $0x0, s1;
	[sflag:s0] =	ssyncset.done @!p0 $0x0  }
0x59: {  	[sflag:s0] =	ssyncadd.s32 @!p0 s1  }
0x5a: {  	[bflag:$0x3] =	sbarrier.arrive $0xFFFF  }
0x5b: {  	_ =	shalt  }

</sc_bundles>
